<compile_context>
chip_gen: v7x
topology: tpu7x:2x2x1
jax: 0.10.2.dev20260603
libtpu: 0.0.44.dev20260713+nightly
codegen_flags: <defaults>
</compile_context>

<pallas_src>
import functools

import jax
import jax.numpy as jnp
from jax import lax
from jax.experimental import pallas as pl
from jax.experimental.pallas import tpu as pltpu
from jax.experimental.pallas import tpu_sc as plsc

NC = 2
NS = 16
L = 16
NW = NC * NS

B, C, V = 1024, 128, 200
VP = 256
ROWS = B * C
ROWS_PER_W = ROWS // NW
R = 128
NCHUNK = ROWS_PER_W // R
NG = VP // L


def _body(x_hbm, idx_hbm, out_hbm, idx_v, in_v, out_v):
  wid = lax.axis_index("s") * NC + lax.axis_index("c")
  row0 = wid * ROWS_PER_W

  pltpu.sync_copy(idx_hbm, idx_v)

  idx_g = [idx_v[pl.ds(g * L, L)] for g in range(NG)]
  mask_g = [ig < V for ig in idx_g]
  idxc_g = [jnp.minimum(ig, V - 1) for ig in idx_g]

  def chunk_body(c, _):
    r0 = row0 + c * R
    pltpu.sync_copy(x_hbm.at[pl.ds(r0 * V, R * V)], in_v)

    def row_body(r, _):
      for g in range(NG):
        vals = plsc.load_gather(in_v, [idxc_g[g] + r * V])
        vals = jnp.where(mask_g[g], vals, 0.0)
        out_v[pl.ds(r * VP + g * L, L)] = vals
      return 0

    lax.fori_loop(0, R, row_body, 0)
    pltpu.sync_copy(out_v, out_hbm.at[pl.ds(r0 * VP, R * VP)])
    return 0

  lax.fori_loop(0, NCHUNK, chunk_body, 0)


@jax.jit
def kernel(input, indices):
  x_flat = input.reshape(ROWS * V)
  mesh = plsc.VectorSubcoreMesh(
      core_axis_name="c", subcore_axis_name="s", num_cores=NC, num_subcores=NS)
  out = pl.kernel(
      _body,
      out_type=jax.ShapeDtypeStruct((ROWS * VP,), jnp.float32),
      mesh=mesh,
      compiler_params=pltpu.CompilerParams(needs_layout_passes=False),
      scratch_types=[
          pltpu.VMEM((VP,), jnp.int32),
          pltpu.VMEM((R * V,), jnp.float32),
          pltpu.VMEM((R * VP,), jnp.float32),
      ],
  )(x_flat, indices)
  return out.reshape(B, C, VP)

# --- scband reference (transcript-rebuilt; emitter-appended) ---
"""Pipeline reference for scband-permute-25074019074688 (READ-ONLY COPY).

The authoritative reference and input builder live on the scoring server;
editing this copy changes nothing except your own understanding.
"""

import jax, jax.numpy as jnp
import numpy as np

V_PERM = 256

def setup_inputs(seed: int = 0) -> dict:
    key = jax.random.key(seed)
    x = jax.random.normal(key, (1024, 128, 200), dtype=jnp.float32)
    # indices: permutation of range(V_PERM), matching init_kwargs (reversed arange)
    indices = jnp.arange(V_PERM - 1, -1, -1, dtype=jnp.int32)
    return {"input": x, "indices": indices}

def reference(input, indices):
    B, C, V = input.shape
    V_perm = indices.shape[0]
    pad = jnp.zeros((B, C, V_perm - V), dtype=input.dtype)
    x = jnp.concatenate([input, pad], axis=2)
    out = jnp.take(x, indices, axis=2)
    return out

if __name__ == "__main__":
    import jax
    _d = setup_inputs()
    print(jax.jit(kernel)(*tuple(_d.values())))

</pallas_src>

<mosaic_0001>
#map = affine_map<(d0, d1) -> (0)>
module attributes {stable_mosaic.version = 14 : i64} {
  func.func @_body(%arg0: i32, %arg1: i32, %arg2: memref<26214400xf32, #tpu.memory_space<hbm>>, %arg3: memref<256xi32, #tpu.memory_space<hbm>>, %arg4: memref<33554432xf32, #tpu.memory_space<hbm>>, %arg5: memref<256xi32, #tpu.memory_space<vmem>>, %arg6: memref<25600xf32, #tpu.memory_space<vmem>>, %arg7: memref<32768xf32, #tpu.memory_space<vmem>>) attributes {dimension_semantics = [#tpu.dimension_semantics<core_parallel>, #tpu.dimension_semantics<subcore_parallel>], iteration_bounds = array<i64: 2, 16>, scalar_prefetch = 0 : i64, scratch_operands = 3 : i64, tpu.core_type = #tpu.core_type<sc_vector_subcore>, window_params = [{transform_indices = #map}, {transform_indices = #map}, {transform_indices = #map}]} {
    %mul3A = arith.constant 2 : i32
    %mul3A_0 = arith.muli %arg1, %mul3A : i32
    %add3A = arith.addi %mul3A_0, %arg0 : i32
    %mul3A_1 = arith.constant 4096 : i32
    %mul3A_2 = arith.muli %add3A, %mul3A_1 : i32
    "tpu.region"() ({
      %run_scoped3A = tpu.sem_alloc : memref<!tpu.dma_semaphore, #tpu.memory_space<semaphore_mem>>
      tpu.enqueue_dma source(%arg3 : memref<256xi32, #tpu.memory_space<hbm>>) target(%arg5 : memref<256xi32, #tpu.memory_space<vmem>>) target_semaphore(%run_scoped3A : memref<!tpu.dma_semaphore, #tpu.memory_space<semaphore_mem>>)
      tpu.wait_dma2 semaphore(%run_scoped3A : memref<!tpu.dma_semaphore, #tpu.memory_space<semaphore_mem>>) src(%arg3 : memref<256xi32, #tpu.memory_space<hbm>>) dst(%arg5 : memref<256xi32, #tpu.memory_space<vmem>>)
      tpu.yield
    }) : () -> ()
    %get3A = arith.constant 0 : index
    %get3A_3 = tpu.vector_load %arg5[%get3A] {strides = array<i32>} : memref<256xi32, #tpu.memory_space<vmem>>, vector<16xi32>,
    %get3A_4 = arith.constant 16 : index
    %get3A_5 = tpu.vector_load %arg5[%get3A_4] {strides = array<i32>} : memref<256xi32, #tpu.memory_space<vmem>>, vector<16xi32>,
    %get3A_6 = arith.constant 32 : index
    %get3A_7 = tpu.vector_load %arg5[%get3A_6] {strides = array<i32>} : memref<256xi32, #tpu.memory_space<vmem>>, vector<16xi32>,
    %get3A_8 = arith.constant 48 : index
    %get3A_9 = tpu.vector_load %arg5[%get3A_8] {strides = array<i32>} : memref<256xi32, #tpu.memory_space<vmem>>, vector<16xi32>,
    %get3A_10 = arith.constant 64 : index
    %get3A_11 = tpu.vector_load %arg5[%get3A_10] {strides = array<i32>} : memref<256xi32, #tpu.memory_space<vmem>>, vector<16xi32>,
    %get3A_12 = arith.constant 80 : index
    %get3A_13 = tpu.vector_load %arg5[%get3A_12] {strides = array<i32>} : memref<256xi32, #tpu.memory_space<vmem>>, vector<16xi32>,
    %get3A_14 = arith.constant 96 : index
    %get3A_15 = tpu.vector_load %arg5[%get3A_14] {strides = array<i32>} : memref<256xi32, #tpu.memory_space<vmem>>, vector<16xi32>,
    %get3A_16 = arith.constant 112 : index
    %get3A_17 = tpu.vector_load %arg5[%get3A_16] {strides = array<i32>} : memref<256xi32, #tpu.memory_space<vmem>>, vector<16xi32>,
    %get3A_18 = arith.constant 128 : index
    %get3A_19 = tpu.vector_load %arg5[%get3A_18] {strides = array<i32>} : memref<256xi32, #tpu.memory_space<vmem>>, vector<16xi32>,
    %get3A_20 = arith.constant 144 : index
    %get3A_21 = tpu.vector_load %arg5[%get3A_20] {strides = array<i32>} : memref<256xi32, #tpu.memory_space<vmem>>, vector<16xi32>,
    %get3A_22 = arith.constant 160 : index
    %get3A_23 = tpu.vector_load %arg5[%get3A_22] {strides = array<i32>} : memref<256xi32, #tpu.memory_space<vmem>>, vector<16xi32>,
    %get3A_24 = arith.constant 176 : index
    %get3A_25 = tpu.vector_load %arg5[%get3A_24] {strides = array<i32>} : memref<256xi32, #tpu.memory_space<vmem>>, vector<16xi32>,
    %get3A_26 = arith.constant 192 : index
    %get3A_27 = tpu.vector_load %arg5[%get3A_26] {strides = array<i32>} : memref<256xi32, #tpu.memory_space<vmem>>, vector<16xi32>,
    %get3A_28 = arith.constant 208 : index
    %get3A_29 = tpu.vector_load %arg5[%get3A_28] {strides = array<i32>} : memref<256xi32, #tpu.memory_space<vmem>>, vector<16xi32>,
    %get3A_30 = arith.constant 224 : index
    %get3A_31 = tpu.vector_load %arg5[%get3A_30] {strides = array<i32>} : memref<256xi32, #tpu.memory_space<vmem>>, vector<16xi32>,
    %get3A_32 = arith.constant 240 : index
    %get3A_33 = tpu.vector_load %arg5[%get3A_32] {strides = array<i32>} : memref<256xi32, #tpu.memory_space<vmem>>, vector<16xi32>,
    %lt3A = arith.constant 200 : i32
    %lt3A_34 = vector.broadcast %lt3A : i32 to vector<16xi32>
    %lt3A_35 = arith.cmpi slt, %get3A_3, %lt3A_34 : vector<16xi32>
    %lt3A_36 = arith.constant 200 : i32
    %lt3A_37 = vector.broadcast %lt3A_36 : i32 to vector<16xi32>
    %lt3A_38 = arith.cmpi slt, %get3A_5, %lt3A_37 : vector<16xi32>
    %lt3A_39 = arith.constant 200 : i32
    %lt3A_40 = vector.broadcast %lt3A_39 : i32 to vector<16xi32>
    %lt3A_41 = arith.cmpi slt, %get3A_7, %lt3A_40 : vector<16xi32>
    %lt3A_42 = arith.constant 200 : i32
    %lt3A_43 = vector.broadcast %lt3A_42 : i32 to vector<16xi32>
    %lt3A_44 = arith.cmpi slt, %get3A_9, %lt3A_43 : vector<16xi32>
    %lt3A_45 = arith.constant 200 : i32
    %lt3A_46 = vector.broadcast %lt3A_45 : i32 to vector<16xi32>
    %lt3A_47 = arith.cmpi slt, %get3A_11, %lt3A_46 : vector<16xi32>
    %lt3A_48 = arith.constant 200 : i32
    %lt3A_49 = vector.broadcast %lt3A_48 : i32 to vector<16xi32>
    %lt3A_50 = arith.cmpi slt, %get3A_13, %lt3A_49 : vector<16xi32>
    %lt3A_51 = arith.constant 200 : i32
    %lt3A_52 = vector.broadcast %lt3A_51 : i32 to vector<16xi32>
    %lt3A_53 = arith.cmpi slt, %get3A_15, %lt3A_52 : vector<16xi32>
    %lt3A_54 = arith.constant 200 : i32
    %lt3A_55 = vector.broadcast %lt3A_54 : i32 to vector<16xi32>
    %lt3A_56 = arith.cmpi slt, %get3A_17, %lt3A_55 : vector<16xi32>
    %lt3A_57 = arith.constant 200 : i32
    %lt3A_58 = vector.broadcast %lt3A_57 : i32 to vector<16xi32>
    %lt3A_59 = arith.cmpi slt, %get3A_19, %lt3A_58 : vector<16xi32>
    %lt3A_60 = arith.constant 200 : i32
    %lt3A_61 = vector.broadcast %lt3A_60 : i32 to vector<16xi32>
    %lt3A_62 = arith.cmpi slt, %get3A_21, %lt3A_61 : vector<16xi32>
    %lt3A_63 = arith.constant 200 : i32
    %lt3A_64 = vector.broadcast %lt3A_63 : i32 to vector<16xi32>
    %lt3A_65 = arith.cmpi slt, %get3A_23, %lt3A_64 : vector<16xi32>
    %lt3A_66 = arith.constant 200 : i32
    %lt3A_67 = vector.broadcast %lt3A_66 : i32 to vector<16xi32>
    %lt3A_68 = arith.cmpi slt, %get3A_25, %lt3A_67 : vector<16xi32>
    %lt3A_69 = arith.constant 200 : i32
    %lt3A_70 = vector.broadcast %lt3A_69 : i32 to vector<16xi32>
    %lt3A_71 = arith.cmpi slt, %get3A_27, %lt3A_70 : vector<16xi32>
    %lt3A_72 = arith.constant 200 : i32
    %lt3A_73 = vector.broadcast %lt3A_72 : i32 to vector<16xi32>
    %lt3A_74 = arith.cmpi slt, %get3A_29, %lt3A_73 : vector<16xi32>
    %lt3A_75 = arith.constant 200 : i32
    %lt3A_76 = vector.broadcast %lt3A_75 : i32 to vector<16xi32>
    %lt3A_77 = arith.cmpi slt, %get3A_31, %lt3A_76 : vector<16xi32>
    %lt3A_78 = arith.constant 200 : i32
    %lt3A_79 = vector.broadcast %lt3A_78 : i32 to vector<16xi32>
    %lt3A_80 = arith.cmpi slt, %get3A_33, %lt3A_79 : vector<16xi32>
    %min3A = arith.constant 199 : i32
    %min3A_81 = vector.broadcast %min3A : i32 to vector<16xi32>
    %min3A_82 = arith.minsi %get3A_3, %min3A_81 : vector<16xi32>
    %min3A_83 = arith.constant 199 : i32
    %min3A_84 = vector.broadcast %min3A_83 : i32 to vector<16xi32>
    %min3A_85 = arith.minsi %get3A_5, %min3A_84 : vector<16xi32>
    %min3A_86 = arith.constant 199 : i32
    %min3A_87 = vector.broadcast %min3A_86 : i32 to vector<16xi32>
    %min3A_88 = arith.minsi %get3A_7, %min3A_87 : vector<16xi32>
    %min3A_89 = arith.constant 199 : i32
    %min3A_90 = vector.broadcast %min3A_89 : i32 to vector<16xi32>
    %min3A_91 = arith.minsi %get3A_9, %min3A_90 : vector<16xi32>
    %min3A_92 = arith.constant 199 : i32
    %min3A_93 = vector.broadcast %min3A_92 : i32 to vector<16xi32>
    %min3A_94 = arith.minsi %get3A_11, %min3A_93 : vector<16xi32>
    %min3A_95 = arith.constant 199 : i32
    %min3A_96 = vector.broadcast %min3A_95 : i32 to vector<16xi32>
    %min3A_97 = arith.minsi %get3A_13, %min3A_96 : vector<16xi32>
    %min3A_98 = arith.constant 199 : i32
    %min3A_99 = vector.broadcast %min3A_98 : i32 to vector<16xi32>
    %min3A_100 = arith.minsi %get3A_15, %min3A_99 : vector<16xi32>
    %min3A_101 = arith.constant 199 : i32
    %min3A_102 = vector.broadcast %min3A_101 : i32 to vector<16xi32>
    %min3A_103 = arith.minsi %get3A_17, %min3A_102 : vector<16xi32>
    %min3A_104 = arith.constant 199 : i32
    %min3A_105 = vector.broadcast %min3A_104 : i32 to vector<16xi32>
    %min3A_106 = arith.minsi %get3A_19, %min3A_105 : vector<16xi32>
    %min3A_107 = arith.constant 199 : i32
    %min3A_108 = vector.broadcast %min3A_107 : i32 to vector<16xi32>
    %min3A_109 = arith.minsi %get3A_21, %min3A_108 : vector<16xi32>
    %min3A_110 = arith.constant 199 : i32
    %min3A_111 = vector.broadcast %min3A_110 : i32 to vector<16xi32>
    %min3A_112 = arith.minsi %get3A_23, %min3A_111 : vector<16xi32>
    %min3A_113 = arith.constant 199 : i32
    %min3A_114 = vector.broadcast %min3A_113 : i32 to vector<16xi32>
    %min3A_115 = arith.minsi %get3A_25, %min3A_114 : vector<16xi32>
    %min3A_116 = arith.constant 199 : i32
    %min3A_117 = vector.broadcast %min3A_116 : i32 to vector<16xi32>
    %min3A_118 = arith.minsi %get3A_27, %min3A_117 : vector<16xi32>
    %min3A_119 = arith.constant 199 : i32
    %min3A_120 = vector.broadcast %min3A_119 : i32 to vector<16xi32>
    %min3A_121 = arith.minsi %get3A_29, %min3A_120 : vector<16xi32>
    %min3A_122 = arith.constant 199 : i32
    %min3A_123 = vector.broadcast %min3A_122 : i32 to vector<16xi32>
    %min3A_124 = arith.minsi %get3A_31, %min3A_123 : vector<16xi32>
    %min3A_125 = arith.constant 199 : i32
    %min3A_126 = vector.broadcast %min3A_125 : i32 to vector<16xi32>
    %min3A_127 = arith.minsi %get3A_33, %min3A_126 : vector<16xi32>
    %scan3A = arith.constant 0 : i32
    %scan3A_128 = arith.constant 0 : i32
    %scan3A_129 = arith.constant 32 : i32
    %scan3A_130 = arith.addi %scan3A_128, %scan3A_129 : i32
    %scan3A_131 = arith.constant 1 : i32
    %scan3A_132 = scf.for %scan3A_134 = %scan3A_128 to %scan3A_130 step %scan3A_131 iter_args(%scan3A_135 = %scan3A) -> (i32)  : i32 {
      %mul3A_136 = arith.constant 128 : i32
      %mul3A_137 = arith.muli %scan3A_134, %mul3A_136 : i32
      %add3A_138 = arith.addi %mul3A_2, %mul3A_137 : i32
      %mul3A_139 = arith.constant 200 : i32
      %mul3A_140 = arith.muli %add3A_138, %mul3A_139 : i32
      "tpu.region"() ({
        %run_scoped3A = tpu.sem_alloc : memref<!tpu.dma_semaphore, #tpu.memory_space<semaphore_mem>>
        %dma_start3A = tpu.memref_slice %arg2[%mul3A_140] : memref<26214400xf32, #tpu.memory_space<hbm>> -> memref<25600xf32, #tpu.memory_space<hbm>>
        %dma_start3A_151 = tpu.memref_slice %arg2[%mul3A_140] : memref<26214400xf32, #tpu.memory_space<hbm>> -> memref<25600xf32, #tpu.memory_space<hbm>>
        tpu.enqueue_dma source(%dma_start3A_151 : memref<25600xf32, #tpu.memory_space<hbm>>) target(%arg6 : memref<25600xf32, #tpu.memory_space<vmem>>) target_semaphore(%run_scoped3A : memref<!tpu.dma_semaphore, #tpu.memory_space<semaphore_mem>>)
        %dma_wait3A = tpu.memref_slice %arg2[%mul3A_140] : memref<26214400xf32, #tpu.memory_space<hbm>> -> memref<25600xf32, #tpu.memory_space<hbm>>
        %dma_wait3A_152 = tpu.memref_slice %arg2[%mul3A_140] : memref<26214400xf32, #tpu.memory_space<hbm>> -> memref<25600xf32, #tpu.memory_space<hbm>>
        tpu.wait_dma2 semaphore(%run_scoped3A : memref<!tpu.dma_semaphore, #tpu.memory_space<semaphore_mem>>) src(%dma_wait3A_152 : memref<25600xf32, #tpu.memory_space<hbm>>) dst(%arg6 : memref<25600xf32, #tpu.memory_space<vmem>>)
        tpu.yield
      }) : () -> ()
      %scan3A_141 = arith.constant 0 : i32
      %scan3A_142 = arith.constant 0 : i32
      %scan3A_143 = arith.constant 128 : i32
      %scan3A_144 = arith.addi %scan3A_142, %scan3A_143 : i32
      %scan3A_145 = arith.constant 1 : i32
      %scan3A_146 = scf.for %scan3A_151 = %scan3A_142 to %scan3A_144 step %scan3A_145 iter_args(%scan3A_152 = %scan3A_141) -> (i32)  : i32 {
        %mul3A_153 = arith.constant 200 : i32
        %mul3A_154 = arith.muli %scan3A_151, %mul3A_153 : i32
        %add3A_155 = vector.broadcast %mul3A_154 : i32 to vector<16xi32>
        %add3A_156 = arith.addi %min3A_82, %add3A_155 : vector<16xi32>
        %gather3A = tpu.vector_load_idx %arg6[%add3A_156] : memref<25600xf32, #tpu.memory_space<vmem>>[vector<16xi32>], vector<16xf32>,
        %jit3A = arith.constant 0.000000e+00 : f32
        %broadcast_in_dim3A = vector.broadcast %jit3A : f32 to vector<16xf32>
        %select_n3A = arith.select %lt3A_35, %gather3A, %broadcast_in_dim3A : vector<16xi1>, vector<16xf32>
        %mul3A_157 = arith.constant 256 : i32
        %mul3A_158 = arith.muli %scan3A_151, %mul3A_157 : i32
        %add3A_159 = arith.constant 0 : i32
        %add3A_160 = arith.addi %mul3A_158, %add3A_159 : i32
        %swap3A = arith.index_cast %add3A_160 : i32 to index
        %swap3A_161 = tpu.vector_load %arg7[%swap3A] {strides = array<i32>} : memref<32768xf32, #tpu.memory_space<vmem>>, vector<16xf32>,
        tpu.vector_store %arg7[%swap3A], %select_n3A {strides = array<i32>} : memref<32768xf32, #tpu.memory_space<vmem>>, vector<16xf32>,
        %mul3A_162 = arith.constant 200 : i32
        %mul3A_163 = arith.muli %scan3A_151, %mul3A_162 : i32
        %add3A_164 = vector.broadcast %mul3A_163 : i32 to vector<16xi32>
        %add3A_165 = arith.addi %min3A_85, %add3A_164 : vector<16xi32>
        %gather3A_166 = tpu.vector_load_idx %arg6[%add3A_165] : memref<25600xf32, #tpu.memory_space<vmem>>[vector<16xi32>], vector<16xf32>,
        %jit3A_167 = arith.constant 0.000000e+00 : f32
        %broadcast_in_dim3A_168 = vector.broadcast %jit3A_167 : f32 to vector<16xf32>
        %select_n3A_169 = arith.select %lt3A_38, %gather3A_166, %broadcast_in_dim3A_168 : vector<16xi1>, vector<16xf32>
        %mul3A_170 = arith.constant 256 : i32
        %mul3A_171 = arith.muli %scan3A_151, %mul3A_170 : i32
        %add3A_172 = arith.constant 16 : i32
        %add3A_173 = arith.addi %mul3A_171, %add3A_172 : i32
        %swap3A_174 = arith.index_cast %add3A_173 : i32 to index
        %swap3A_175 = tpu.vector_load %arg7[%swap3A_174] {strides = array<i32>} : memref<32768xf32, #tpu.memory_space<vmem>>, vector<16xf32>,
        tpu.vector_store %arg7[%swap3A_174], %select_n3A_169 {strides = array<i32>} : memref<32768xf32, #tpu.memory_space<vmem>>, vector<16xf32>,
        %mul3A_176 = arith.constant 200 : i32
        %mul3A_177 = arith.muli %scan3A_151, %mul3A_176 : i32
        %add3A_178 = vector.broadcast %mul3A_177 : i32 to vector<16xi32>
        %add3A_179 = arith.addi %min3A_88, %add3A_178 : vector<16xi32>
        %gather3A_180 = tpu.vector_load_idx %arg6[%add3A_179] : memref<25600xf32, #tpu.memory_space<vmem>>[vector<16xi32>], vector<16xf32>,
        %jit3A_181 = arith.constant 0.000000e+00 : f32
        %broadcast_in_dim3A_182 = vector.broadcast %jit3A_181 : f32 to vector<16xf32>
        %select_n3A_183 = arith.select %lt3A_41, %gather3A_180, %broadcast_in_dim3A_182 : vector<16xi1>, vector<16xf32>
        %mul3A_184 = arith.constant 256 : i32
        %mul3A_185 = arith.muli %scan3A_151, %mul3A_184 : i32
        %add3A_186 = arith.constant 32 : i32
        %add3A_187 = arith.addi %mul3A_185, %add3A_186 : i32
        %swap3A_188 = arith.index_cast %add3A_187 : i32 to index
        %swap3A_189 = tpu.vector_load %arg7[%swap3A_188] {strides = array<i32>} : memref<32768xf32, #tpu.memory_space<vmem>>, vector<16xf32>,
        tpu.vector_store %arg7[%swap3A_188], %select_n3A_183 {strides = array<i32>} : memref<32768xf32, #tpu.memory_space<vmem>>, vector<16xf32>,
        %mul3A_190 = arith.constant 200 : i32
        %mul3A_191 = arith.muli %scan3A_151, %mul3A_190 : i32
        %add3A_192 = vector.broadcast %mul3A_191 : i32 to vector<16xi32>
        %add3A_193 = arith.addi %min3A_91, %add3A_192 : vector<16xi32>
        %gather3A_194 = tpu.vector_load_idx %arg6[%add3A_193] : memref<25600xf32, #tpu.memory_space<vmem>>[vector<16xi32>], vector<16xf32>,
        %jit3A_195 = arith.constant 0.000000e+00 : f32
        %broadcast_in_dim3A_196 = vector.broadcast %jit3A_195 : f32 to vector<16xf32>
        %select_n3A_197 = arith.select %lt3A_44, %gather3A_194, %broadcast_in_dim3A_196 : vector<16xi1>, vector<16xf32>
        %mul3A_198 = arith.constant 256 : i32
        %mul3A_199 = arith.muli %scan3A_151, %mul3A_198 : i32
        %add3A_200 = arith.constant 48 : i32
        %add3A_201 = arith.addi %mul3A_199, %add3A_200 : i32
        %swap3A_202 = arith.index_cast %add3A_201 : i32 to index
        %swap3A_203 = tpu.vector_load %arg7[%swap3A_202] {strides = array<i32>} : memref<32768xf32, #tpu.memory_space<vmem>>, vector<16xf32>,
        tpu.vector_store %arg7[%swap3A_202], %select_n3A_197 {strides = array<i32>} : memref<32768xf32, #tpu.memory_space<vmem>>, vector<16xf32>,
        %mul3A_204 = arith.constant 200 : i32
        %mul3A_205 = arith.muli %scan3A_151, %mul3A_204 : i32
        %add3A_206 = vector.broadcast %mul3A_205 : i32 to vector<16xi32>
        %add3A_207 = arith.addi %min3A_94, %add3A_206 : vector<16xi32>
        %gather3A_208 = tpu.vector_load_idx %arg6[%add3A_207] : memref<25600xf32, #tpu.memory_space<vmem>>[vector<16xi32>], vector<16xf32>,
        %jit3A_209 = arith.constant 0.000000e+00 : f32
        %broadcast_in_dim3A_210 = vector.broadcast %jit3A_209 : f32 to vector<16xf32>
        %select_n3A_211 = arith.select %lt3A_47, %gather3A_208, %broadcast_in_dim3A_210 : vector<16xi1>, vector<16xf32>
        %mul3A_212 = arith.constant 256 : i32
        %mul3A_213 = arith.muli %scan3A_151, %mul3A_212 : i32
        %add3A_214 = arith.constant 64 : i32
        %add3A_215 = arith.addi %mul3A_213, %add3A_214 : i32
        %swap3A_216 = arith.index_cast %add3A_215 : i32 to index
        %swap3A_217 = tpu.vector_load %arg7[%swap3A_216] {strides = array<i32>} : memref<32768xf32, #tpu.memory_space<vmem>>, vector<16xf32>,
        tpu.vector_store %arg7[%swap3A_216], %select_n3A_211 {strides = array<i32>} : memref<32768xf32, #tpu.memory_space<vmem>>, vector<16xf32>,
        %mul3A_218 = arith.constant 200 : i32
        %mul3A_219 = arith.muli %scan3A_151, %mul3A_218 : i32
        %add3A_220 = vector.broadcast %mul3A_219 : i32 to vector<16xi32>
        %add3A_221 = arith.addi %min3A_97, %add3A_220 : vector<16xi32>
        %gather3A_222 = tpu.vector_load_idx %arg6[%add3A_221] : memref<25600xf32, #tpu.memory_space<vmem>>[vector<16xi32>], vector<16xf32>,
        %jit3A_223 = arith.constant 0.000000e+00 : f32
        %broadcast_in_dim3A_224 = vector.broadcast %jit3A_223 : f32 to vector<16xf32>
        %select_n3A_225 = arith.select %lt3A_50, %gather3A_222, %broadcast_in_dim3A_224 : vector<16xi1>, vector<16xf32>
        %mul3A_226 = arith.constant 256 : i32
        %mul3A_227 = arith.muli %scan3A_151, %mul3A_226 : i32
        %add3A_228 = arith.constant 80 : i32
        %add3A_229 = arith.addi %mul3A_227, %add3A_228 : i32
        %swap3A_230 = arith.index_cast %add3A_229 : i32 to index
        %swap3A_231 = tpu.vector_load %arg7[%swap3A_230] {strides = array<i32>} : memref<32768xf32, #tpu.memory_space<vmem>>, vector<16xf32>,
        tpu.vector_store %arg7[%swap3A_230], %select_n3A_225 {strides = array<i32>} : memref<32768xf32, #tpu.memory_space<vmem>>, vector<16xf32>,
        %mul3A_232 = arith.constant 200 : i32
        %mul3A_233 = arith.muli %scan3A_151, %mul3A_232 : i32
        %add3A_234 = vector.broadcast %mul3A_233 : i32 to vector<16xi32>
        %add3A_235 = arith.addi %min3A_100, %add3A_234 : vector<16xi32>
        %gather3A_236 = tpu.vector_load_idx %arg6[%add3A_235] : memref<25600xf32, #tpu.memory_space<vmem>>[vector<16xi32>], vector<16xf32>,
        %jit3A_237 = arith.constant 0.000000e+00 : f32
        %broadcast_in_dim3A_238 = vector.broadcast %jit3A_237 : f32 to vector<16xf32>
        %select_n3A_239 = arith.select %lt3A_53, %gather3A_236, %broadcast_in_dim3A_238 : vector<16xi1>, vector<16xf32>
        %mul3A_240 = arith.constant 256 : i32
        %mul3A_241 = arith.muli %scan3A_151, %mul3A_240 : i32
        %add3A_242 = arith.constant 96 : i32
        %add3A_243 = arith.addi %mul3A_241, %add3A_242 : i32
        %swap3A_244 = arith.index_cast %add3A_243 : i32 to index
        %swap3A_245 = tpu.vector_load %arg7[%swap3A_244] {strides = array<i32>} : memref<32768xf32, #tpu.memory_space<vmem>>, vector<16xf32>,
        tpu.vector_store %arg7[%swap3A_244], %select_n3A_239 {strides = array<i32>} : memref<32768xf32, #tpu.memory_space<vmem>>, vector<16xf32>,
        %mul3A_246 = arith.constant 200 : i32
        %mul3A_247 = arith.muli %scan3A_151, %mul3A_246 : i32
        %add3A_248 = vector.broadcast %mul3A_247 : i32 to vector<16xi32>
        %add3A_249 = arith.addi %min3A_103, %add3A_248 : vector<16xi32>
        %gather3A_250 = tpu.vector_load_idx %arg6[%add3A_249] : memref<25600xf32, #tpu.memory_space<vmem>>[vector<16xi32>], vector<16xf32>,
        %jit3A_251 = arith.constant 0.000000e+00 : f32
        %broadcast_in_dim3A_252 = vector.broadcast %jit3A_251 : f32 to vector<16xf32>
        %select_n3A_253 = arith.select %lt3A_56, %gather3A_250, %broadcast_in_dim3A_252 : vector<16xi1>, vector<16xf32>
        %mul3A_254 = arith.constant 256 : i32
        %mul3A_255 = arith.muli %scan3A_151, %mul3A_254 : i32
        %add3A_256 = arith.constant 112 : i32
        %add3A_257 = arith.addi %mul3A_255, %add3A_256 : i32
        %swap3A_258 = arith.index_cast %add3A_257 : i32 to index
        %swap3A_259 = tpu.vector_load %arg7[%swap3A_258] {strides = array<i32>} : memref<32768xf32, #tpu.memory_space<vmem>>, vector<16xf32>,
        tpu.vector_store %arg7[%swap3A_258], %select_n3A_253 {strides = array<i32>} : memref<32768xf32, #tpu.memory_space<vmem>>, vector<16xf32>,
        %mul3A_260 = arith.constant 200 : i32
        %mul3A_261 = arith.muli %scan3A_151, %mul3A_260 : i32
        %add3A_262 = vector.broadcast %mul3A_261 : i32 to vector<16xi32>
        %add3A_263 = arith.addi %min3A_106, %add3A_262 : vector<16xi32>
        %gather3A_264 = tpu.vector_load_idx %arg6[%add3A_263] : memref<25600xf32, #tpu.memory_space<vmem>>[vector<16xi32>], vector<16xf32>,
        %jit3A_265 = arith.constant 0.000000e+00 : f32
        %broadcast_in_dim3A_266 = vector.broadcast %jit3A_265 : f32 to vector<16xf32>
        %select_n3A_267 = arith.select %lt3A_59, %gather3A_264, %broadcast_in_dim3A_266 : vector<16xi1>, vector<16xf32>
        %mul3A_268 = arith.constant 256 : i32
        %mul3A_269 = arith.muli %scan3A_151, %mul3A_268 : i32
        %add3A_270 = arith.constant 128 : i32
        %add3A_271 = arith.addi %mul3A_269, %add3A_270 : i32
        %swap3A_272 = arith.index_cast %add3A_271 : i32 to index
        %swap3A_273 = tpu.vector_load %arg7[%swap3A_272] {strides = array<i32>} : memref<32768xf32, #tpu.memory_space<vmem>>, vector<16xf32>,
        tpu.vector_store %arg7[%swap3A_272], %select_n3A_267 {strides = array<i32>} : memref<32768xf32, #tpu.memory_space<vmem>>, vector<16xf32>,
        %mul3A_274 = arith.constant 200 : i32
        %mul3A_275 = arith.muli %scan3A_151, %mul3A_274 : i32
        %add3A_276 = vector.broadcast %mul3A_275 : i32 to vector<16xi32>
        %add3A_277 = arith.addi %min3A_109, %add3A_276 : vector<16xi32>
        %gather3A_278 = tpu.vector_load_idx %arg6[%add3A_277] : memref<25600xf32, #tpu.memory_space<vmem>>[vector<16xi32>], vector<16xf32>,
        %jit3A_279 = arith.constant 0.000000e+00 : f32
        %broadcast_in_dim3A_280 = vector.broadcast %jit3A_279 : f32 to vector<16xf32>
        %select_n3A_281 = arith.select %lt3A_62, %gather3A_278, %broadcast_in_dim3A_280 : vector<16xi1>, vector<16xf32>
        %mul3A_282 = arith.constant 256 : i32
        %mul3A_283 = arith.muli %scan3A_151, %mul3A_282 : i32
        %add3A_284 = arith.constant 144 : i32
        %add3A_285 = arith.addi %mul3A_283, %add3A_284 : i32
        %swap3A_286 = arith.index_cast %add3A_285 : i32 to index
        %swap3A_287 = tpu.vector_load %arg7[%swap3A_286] {strides = array<i32>} : memref<32768xf32, #tpu.memory_space<vmem>>, vector<16xf32>,
        tpu.vector_store %arg7[%swap3A_286], %select_n3A_281 {strides = array<i32>} : memref<32768xf32, #tpu.memory_space<vmem>>, vector<16xf32>,
        %mul3A_288 = arith.constant 200 : i32
        %mul3A_289 = arith.muli %scan3A_151, %mul3A_288 : i32
        %add3A_290 = vector.broadcast %mul3A_289 : i32 to vector<16xi32>
        %add3A_291 = arith.addi %min3A_112, %add3A_290 : vector<16xi32>
        %gather3A_292 = tpu.vector_load_idx %arg6[%add3A_291] : memref<25600xf32, #tpu.memory_space<vmem>>[vector<16xi32>], vector<16xf32>,
        %jit3A_293 = arith.constant 0.000000e+00 : f32
        %broadcast_in_dim3A_294 = vector.broadcast %jit3A_293 : f32 to vector<16xf32>
        %select_n3A_295 = arith.select %lt3A_65, %gather3A_292, %broadcast_in_dim3A_294 : vector<16xi1>, vector<16xf32>
        %mul3A_296 = arith.constant 256 : i32
        %mul3A_297 = arith.muli %scan3A_151, %mul3A_296 : i32
        %add3A_298 = arith.constant 160 : i32
        %add3A_299 = arith.addi %mul3A_297, %add3A_298 : i32
        %swap3A_300 = arith.index_cast %add3A_299 : i32 to index
        %swap3A_301 = tpu.vector_load %arg7[%swap3A_300] {strides = array<i32>} : memref<32768xf32, #tpu.memory_space<vmem>>, vector<16xf32>,
        tpu.vector_store %arg7[%swap3A_300], %select_n3A_295 {strides = array<i32>} : memref<32768xf32, #tpu.memory_space<vmem>>, vector<16xf32>,
        %mul3A_302 = arith.constant 200 : i32
        %mul3A_303 = arith.muli %scan3A_151, %mul3A_302 : i32
        %add3A_304 = vector.broadcast %mul3A_303 : i32 to vector<16xi32>
        %add3A_305 = arith.addi %min3A_115, %add3A_304 : vector<16xi32>
        %gather3A_306 = tpu.vector_load_idx %arg6[%add3A_305] : memref<25600xf32, #tpu.memory_space<vmem>>[vector<16xi32>], vector<16xf32>,
        %jit3A_307 = arith.constant 0.000000e+00 : f32
        %broadcast_in_dim3A_308 = vector.broadcast %jit3A_307 : f32 to vector<16xf32>
        %select_n3A_309 = arith.select %lt3A_68, %gather3A_306, %broadcast_in_dim3A_308 : vector<16xi1>, vector<16xf32>
        %mul3A_310 = arith.constant 256 : i32
        %mul3A_311 = arith.muli %scan3A_151, %mul3A_310 : i32
        %add3A_312 = arith.constant 176 : i32
        %add3A_313 = arith.addi %mul3A_311, %add3A_312 : i32
        %swap3A_314 = arith.index_cast %add3A_313 : i32 to index
        %swap3A_315 = tpu.vector_load %arg7[%swap3A_314] {strides = array<i32>} : memref<32768xf32, #tpu.memory_space<vmem>>, vector<16xf32>,
        tpu.vector_store %arg7[%swap3A_314], %select_n3A_309 {strides = array<i32>} : memref<32768xf32, #tpu.memory_space<vmem>>, vector<16xf32>,
        %mul3A_316 = arith.constant 200 : i32
        %mul3A_317 = arith.muli %scan3A_151, %mul3A_316 : i32
        %add3A_318 = vector.broadcast %mul3A_317 : i32 to vector<16xi32>
        %add3A_319 = arith.addi %min3A_118, %add3A_318 : vector<16xi32>
        %gather3A_320 = tpu.vector_load_idx %arg6[%add3A_319] : memref<25600xf32, #tpu.memory_space<vmem>>[vector<16xi32>], vector<16xf32>,
        %jit3A_321 = arith.constant 0.000000e+00 : f32
        %broadcast_in_dim3A_322 = vector.broadcast %jit3A_321 : f32 to vector<16xf32>
        %select_n3A_323 = arith.select %lt3A_71, %gather3A_320, %broadcast_in_dim3A_322 : vector<16xi1>, vector<16xf32>
        %mul3A_324 = arith.constant 256 : i32
        %mul3A_325 = arith.muli %scan3A_151, %mul3A_324 : i32
        %add3A_326 = arith.constant 192 : i32
        %add3A_327 = arith.addi %mul3A_325, %add3A_326 : i32
        %swap3A_328 = arith.index_cast %add3A_327 : i32 to index
        %swap3A_329 = tpu.vector_load %arg7[%swap3A_328] {strides = array<i32>} : memref<32768xf32, #tpu.memory_space<vmem>>, vector<16xf32>,
        tpu.vector_store %arg7[%swap3A_328], %select_n3A_323 {strides = array<i32>} : memref<32768xf32, #tpu.memory_space<vmem>>, vector<16xf32>,
        %mul3A_330 = arith.constant 200 : i32
        %mul3A_331 = arith.muli %scan3A_151, %mul3A_330 : i32
        %add3A_332 = vector.broadcast %mul3A_331 : i32 to vector<16xi32>
        %add3A_333 = arith.addi %min3A_121, %add3A_332 : vector<16xi32>
        %gather3A_334 = tpu.vector_load_idx %arg6[%add3A_333] : memref<25600xf32, #tpu.memory_space<vmem>>[vector<16xi32>], vector<16xf32>,
        %jit3A_335 = arith.constant 0.000000e+00 : f32
        %broadcast_in_dim3A_336 = vector.broadcast %jit3A_335 : f32 to vector<16xf32>
        %select_n3A_337 = arith.select %lt3A_74, %gather3A_334, %broadcast_in_dim3A_336 : vector<16xi1>, vector<16xf32>
        %mul3A_338 = arith.constant 256 : i32
        %mul3A_339 = arith.muli %scan3A_151, %mul3A_338 : i32
        %add3A_340 = arith.constant 208 : i32
        %add3A_341 = arith.addi %mul3A_339, %add3A_340 : i32
        %swap3A_342 = arith.index_cast %add3A_341 : i32 to index
        %swap3A_343 = tpu.vector_load %arg7[%swap3A_342] {strides = array<i32>} : memref<32768xf32, #tpu.memory_space<vmem>>, vector<16xf32>,
        tpu.vector_store %arg7[%swap3A_342], %select_n3A_337 {strides = array<i32>} : memref<32768xf32, #tpu.memory_space<vmem>>, vector<16xf32>,
        %mul3A_344 = arith.constant 200 : i32
        %mul3A_345 = arith.muli %scan3A_151, %mul3A_344 : i32
        %add3A_346 = vector.broadcast %mul3A_345 : i32 to vector<16xi32>
        %add3A_347 = arith.addi %min3A_124, %add3A_346 : vector<16xi32>
        %gather3A_348 = tpu.vector_load_idx %arg6[%add3A_347] : memref<25600xf32, #tpu.memory_space<vmem>>[vector<16xi32>], vector<16xf32>,
        %jit3A_349 = arith.constant 0.000000e+00 : f32
        %broadcast_in_dim3A_350 = vector.broadcast %jit3A_349 : f32 to vector<16xf32>
        %select_n3A_351 = arith.select %lt3A_77, %gather3A_348, %broadcast_in_dim3A_350 : vector<16xi1>, vector<16xf32>
        %mul3A_352 = arith.constant 256 : i32
        %mul3A_353 = arith.muli %scan3A_151, %mul3A_352 : i32
        %add3A_354 = arith.constant 224 : i32
        %add3A_355 = arith.addi %mul3A_353, %add3A_354 : i32
        %swap3A_356 = arith.index_cast %add3A_355 : i32 to index
        %swap3A_357 = tpu.vector_load %arg7[%swap3A_356] {strides = array<i32>} : memref<32768xf32, #tpu.memory_space<vmem>>, vector<16xf32>,
        tpu.vector_store %arg7[%swap3A_356], %select_n3A_351 {strides = array<i32>} : memref<32768xf32, #tpu.memory_space<vmem>>, vector<16xf32>,
        %mul3A_358 = arith.constant 200 : i32
        %mul3A_359 = arith.muli %scan3A_151, %mul3A_358 : i32
        %add3A_360 = vector.broadcast %mul3A_359 : i32 to vector<16xi32>
        %add3A_361 = arith.addi %min3A_127, %add3A_360 : vector<16xi32>
        %gather3A_362 = tpu.vector_load_idx %arg6[%add3A_361] : memref<25600xf32, #tpu.memory_space<vmem>>[vector<16xi32>], vector<16xf32>,
        %jit3A_363 = arith.constant 0.000000e+00 : f32
        %broadcast_in_dim3A_364 = vector.broadcast %jit3A_363 : f32 to vector<16xf32>
        %select_n3A_365 = arith.select %lt3A_80, %gather3A_362, %broadcast_in_dim3A_364 : vector<16xi1>, vector<16xf32>
        %mul3A_366 = arith.constant 256 : i32
        %mul3A_367 = arith.muli %scan3A_151, %mul3A_366 : i32
        %add3A_368 = arith.constant 240 : i32
        %add3A_369 = arith.addi %mul3A_367, %add3A_368 : i32
        %swap3A_370 = arith.index_cast %add3A_369 : i32 to index
        %swap3A_371 = tpu.vector_load %arg7[%swap3A_370] {strides = array<i32>} : memref<32768xf32, #tpu.memory_space<vmem>>, vector<16xf32>,
        tpu.vector_store %arg7[%swap3A_370], %select_n3A_365 {strides = array<i32>} : memref<32768xf32, #tpu.memory_space<vmem>>, vector<16xf32>,
        %scan3A_372 = arith.constant 0 : i32
        scf.yield %scan3A_372 : i32
      }
      %scan3A_147 = arith.constant 128 : i32
      %mul3A_148 = arith.constant 256 : i32
      %mul3A_149 = arith.muli %add3A_138, %mul3A_148 : i32
      "tpu.region"() ({
        %run_scoped3A = tpu.sem_alloc : memref<!tpu.dma_semaphore, #tpu.memory_space<semaphore_mem>>
        %dma_start3A = tpu.memref_slice %arg4[%mul3A_149] : memref<33554432xf32, #tpu.memory_space<hbm>> -> memref<32768xf32, #tpu.memory_space<hbm>>
        %dma_start3A_151 = tpu.memref_slice %arg4[%mul3A_149] : memref<33554432xf32, #tpu.memory_space<hbm>> -> memref<32768xf32, #tpu.memory_space<hbm>>
        tpu.enqueue_dma source(%arg7 : memref<32768xf32, #tpu.memory_space<vmem>>) target(%dma_start3A_151 : memref<32768xf32, #tpu.memory_space<hbm>>) target_semaphore(%run_scoped3A : memref<!tpu.dma_semaphore, #tpu.memory_space<semaphore_mem>>)
        %dma_wait3A = tpu.memref_slice %arg4[%mul3A_149] : memref<33554432xf32, #tpu.memory_space<hbm>> -> memref<32768xf32, #tpu.memory_space<hbm>>
        %dma_wait3A_152 = tpu.memref_slice %arg4[%mul3A_149] : memref<33554432xf32, #tpu.memory_space<hbm>> -> memref<32768xf32, #tpu.memory_space<hbm>>
        tpu.wait_dma2 semaphore(%run_scoped3A : memref<!tpu.dma_semaphore, #tpu.memory_space<semaphore_mem>>) src(%arg7 : memref<32768xf32, #tpu.memory_space<vmem>>) dst(%dma_wait3A_152 : memref<32768xf32, #tpu.memory_space<hbm>>)
        tpu.yield
      }) : () -> ()
      %scan3A_150 = arith.constant 0 : i32
      scf.yield %scan3A_150 : i32
    }
    %scan3A_133 = arith.constant 32 : i32
    return
  }
}

</mosaic_0001>

<sc_bundles>
// kernel: kernel.3.cloned.1.call-start
scs
__scs_entry_jumppad:
0x0: {  	(pc) =	sbr.rel $0x88, $3  }
0x1: {  	(tag) =	ssettag $0x0;
	lr =	simm.s32 $0x1  }
0x2: {  	[smem:$0x3F9F] =	sst lr;
	_ =	strace $0xD0000000  }
0x3: {  	_ = 	snop  }
0x4: {  	_ = 	snop  }
0x5: {  	_ = 	snop  }
0x6: {  	_ = 	snop  }
0x7: {  	_ = 	snop  }
__scs_overlays_trampoline_lowered:
0x8: {  	[smem:$0x3FAE] =	sst s0  }
0x9: {  	[smem:$0x3FAF] =	sst s1  }
0xa: {  	[smem:$0x3FB0] =	sst s2  }
0xb: {  	[smem:$0x3FB1] =	sst s3  }
0xc: {  	[smem:$0x3FB2] =	sst s4  }
0xd: {  	[smem:$0x3FB3] =	sst s5  }
0xe: {  	[smem:$0x3FB4] =	sst s6  }
0xf: {  	[smem:$0x3FB5] =	sst s7  }
0x10: {  	[smem:$0x3FB6] =	sst s8  }
0x11: {  	[smem:$0x3FB7] =	sst s9;
	s0 =	simm.s32 @!p0 $0x0  }
0x12: {  	s1 =	sld [smem:$0x3F9D];
	s0 =	simm.s32 @p0 $0x1  }
0x13: {  	[smem:$0x3FB8] =	sst s0;
	s0 =	simm.s32 @!p1 $0x0  }
0x14: {  	s2 =	sld [smem:$0x3F9C];
	s0 =	simm.s32 @p1 $0x1  }
0x15: {  	[smem:$0x3FB9] =	sst s0;
	s0 =	simm.s32 @!p2 $0x0  }
0x16: {  	s3 =	sld [smem:$0x3FDB];
	s0 =	simm.s32 @p2 $0x1  }
0x17: {  	s4 =	simm.s32 $0x1BF5;
	[smem:$0x3FBB] =	sst s0  }
0x18: {  	s0 =	sld [smem:$0x3F9E];
	_ =	swait.ge [sflag:s4], $0x0  }
0x19: {  	s7 =	sld [smem:$0x3F9F]  }
0x1a: {  	s8 =	sadd.s32 $0xFFFFE003, lr  }
0x1b: {  	s9 =	sadd.s32 $0xFFFFFEF7, lr;
	s5 =	simm.s32 $0xFFFFFFFF;
	p2 =	slt.u32 s8, $0xFFFFF086  }
0x1c: {  	p1 =	slt.u32 s9, $0xF7A;
	s5 =	simm.s32 @!p2 $0x0  }
0x1d: {  	s5 =	simm.s32 @p1 $0x1;
	p0 =	seq.s32 s7, s2  }
0x1e: {  	s7 =	smul.u32 @!p0 $0xF7A, s2;
	p2 =	seq.s32 @!p0 s5, $0x0  }
0x1f: {  	s9 =	smul.u32 $0xF7A, s1;
	s8 =	simm.s32 @!p0 $0x1BF5;
	p2 =	por !p2, p0  }
0x20: {  	[sflag:s8] =	ssyncset.s32 @!p0 $0xFFFFF086;
	s6 =	sadd.s32 @!p0 s3, s7;
	s7 =	simm.s32 @!p0 $0x108  }
0x21: {  	s3 =	sadd.s32 s3, s9;
	s6 =	sadd.s32 @!p0 $0x88, s6;
	s7 =	simm.s32 @p2 $0x1082  }
0x22: {  	[simem:s7], [sflag:s8] =	dma.local @!p0 [hbm:s6], $0xF7A  }
0x23: {  	s9 =	sor.u32 $0xD0000000, s2;
	s6 =	simm.s32 $0x108;
	_ =	swait.ge @!p0 [sflag:s8], $0x0  }
0x24: {  	s3 =	sadd.s32 $0x88, s3;
	s6 =	simm.s32 @!p1 $0x1082;
	[sflag:s4] =	ssyncset.s32 $0xFFFFF086  }
0x25: {  	[simem:s6], [sflag:s4] =	dma.local [hbm:s3], $0xF7A  }
0x26: {  	[smem:$0x3F9F] =	sst s1;
	(tag) =	ssettag s2;
	_ =	strace s9  }
0x27: {  	s1 =	sld [smem:$0x3FAF]  }
0x28: {  	s2 =	sld [smem:$0x3FB0]  }
0x29: {  	s4 =	sld [smem:$0x3FB2]  }
0x2a: {  	p0 =	seq.s32 s5, $0x0;
	s5 =	sld [smem:$0x3FB3]  }
0x2b: {  	s6 =	sld [smem:$0x3FB4]  }
0x2c: {  	s7 =	sld [smem:$0x3FB5]  }
0x2d: {  	s3 =	simm.s32 $0x108;
	s8 =	sld [smem:$0x3FB6]  }
0x2e: {  	s3 =	simm.s32 @!p0 $0x1082;
	s9 =	sld [smem:$0x3FB7]  }
0x2f: {  	lr =	sadd.s32 s0, s3;
	s0 =	sld [smem:$0x3FAE]  }
0x30: {  	s3 =	sld [smem:$0x3FB1]  }
0x31: {  	[smem:$0x3FBA] =	sst s10  }
0x32: {  	s10 =	sld [smem:$0x3FB8];
	_ =	sdelay $0x3  }
0x33: {  	p0 =	seq.s32 s10, $0x1;
	s10 =	sld [smem:$0x3FBA];
	_ =	sdelay $0x3  }
0x34: {  	[smem:$0x3FBA] =	sst s10  }
0x35: {  	s10 =	sld [smem:$0x3FB9];
	_ =	sdelay $0x3  }
0x36: {  	p1 =	seq.s32 s10, $0x1;
	s10 =	sld [smem:$0x3FBA];
	_ =	sdelay $0x3  }
0x37: {  	[smem:$0x3FBA] =	sst s10  }
0x38: {  	s10 =	sld [smem:$0x3FBB]  }
0x39: {  	_ = 	snop;
	(pc) =	sbr.ind lr, $3  }
0x3a: {  	_ = 	snop  }
0x3b: {  	_ = 	snop  }
0x3c: {  	p2 =	seq.s32 s10, $0x1;
	s10 =	sld [smem:$0x3FBA]  }
0x3d: {  	_ =	shalt  }
0x3e: {  	_ =	shalt  }
0x3f: {  	_ =	shalt  }
0x40: {  	_ =	shalt  }
0x41: {  	_ =	shalt  }
0x42: {  	_ =	shalt  }
0x43: {  	_ =	shalt  }
0x44: {  	_ =	shalt  }
0x45: {  	_ =	shalt  }
0x46: {  	_ =	shalt  }
0x47: {  	_ =	shalt  }
0x48: {  	_ =	shalt  }
0x49: {  	_ =	shalt  }
0x4a: {  	_ =	shalt  }
0x4b: {  	_ =	shalt  }
0x4c: {  	_ =	shalt  }
0x4d: {  	_ =	shalt  }
0x4e: {  	_ =	shalt  }
0x4f: {  	_ =	shalt  }
0x50: {  	_ =	shalt  }
0x51: {  	_ =	shalt  }
0x52: {  	_ =	shalt  }
0x53: {  	_ =	shalt  }
0x54: {  	_ =	shalt  }
0x55: {  	_ =	shalt  }
0x56: {  	_ =	shalt  }
0x57: {  	_ =	shalt  }
0x58: {  	_ =	shalt  }
0x59: {  	_ =	shalt  }
0x5a: {  	_ =	shalt  }
0x5b: {  	_ =	shalt  }
0x5c: {  	_ =	shalt  }
0x5d: {  	_ =	shalt  }
0x5e: {  	_ =	shalt  }
0x5f: {  	_ =	shalt  }
0x60: {  	_ =	shalt  }
0x61: {  	_ =	shalt  }
0x62: {  	_ =	shalt  }
0x63: {  	_ =	shalt  }
0x64: {  	_ =	shalt  }
0x65: {  	_ =	shalt  }
0x66: {  	_ =	shalt  }
0x67: {  	_ =	shalt  }
0x68: {  	_ =	shalt  }
0x69: {  	_ =	shalt  }
0x6a: {  	_ =	shalt  }
0x6b: {  	_ =	shalt  }
0x6c: {  	_ =	shalt  }
0x6d: {  	_ =	shalt  }
0x6e: {  	_ =	shalt  }
0x6f: {  	_ =	shalt  }
0x70: {  	_ =	shalt  }
0x71: {  	_ =	shalt  }
0x72: {  	_ =	shalt  }
0x73: {  	_ =	shalt  }
0x74: {  	_ =	shalt  }
0x75: {  	_ =	shalt  }
0x76: {  	_ =	shalt  }
0x77: {  	_ =	shalt  }
0x78: {  	_ =	shalt  }
0x79: {  	_ =	shalt  }
0x7a: {  	_ =	shalt  }
0x7b: {  	_ =	shalt  }
0x7c: {  	_ =	shalt  }
0x7d: {  	_ =	shalt  }
0x7e: {  	_ =	shalt  }
0x7f: {  	_ =	shalt  }
0x80: {  	_ =	shalt  }
0x81: {  	_ =	shalt  }
0x82: {  	_ =	shalt  }
0x83: {  	_ =	shalt  }
0x84: {  	_ =	shalt  }
0x85: {  	_ =	shalt  }
0x86: {  	_ =	shalt  }
0x87: {  	_ =	shalt  }
.Lfunc_end0:
.L_simem_size_0:
called_computation_lowered:
.L_overlay_start_0:
0x88: {  	s2 =	sld [smem:$0x3FD9]  }
0x89: {  	s3 =	sld [smem:$0x3FFE];
	_ =	sdelay $0x1  }
0x8a: {  	s1 =	srdreg.scid  }
0x8b: {  	s0 =	sand.u32 $0x1, s1  }
0x8c: {  	s17 =	sshll.u32 s0, $0xA;
	s2 =	sadd.s32 s3, s2  }
0x8d: {  	s2 =	sadd.s32 s2, s17  }
0x8e: {  	[smem:$0x3FC6] =	sst s2  }
0x8f: {  	_ = 	snop  }
0x90: {  	s2 =	sld [smem:$0x3FC8];
	(tm) =	ssettm $0x1  }
0x91: {  	s18 =	sld [smem:$0x3FFB];
	_ =	sdelay $0x3  }
0x92: {  	_ =	strace s18  }
0x93: {  	s3 =	sld [smem:$0x3FFC];
	_ =	sdelay $0x3  }
0x94: {  	_ =	strace s3  }
0x95: {  	s3 =	sld [smem:$0x3FFD];
	_ =	sdelay $0x3  }
0x96: {  	_ =	strace s3  }
0x97: {  	_ =	strace $0x8FFFFFFF  }
0x98: {  	s19 =	sld [smem:$0x3FDB];
	_ =	sdelay $0x1  }
0x99: {  	s4 =	simm.s32 $_scs_section_size  }
0x9a: {  	s5 =	simm.s32 $_size__tile_overlayer_lowered;
	s6 =	simm.s32 $_tile_overlayer_lowered  }
0x9b: {  	s22 =	simm.s32 $0x1BFF;
	s21 =	sshll.u32 s6, $0x1;
	s3 =	sadd.s32 s4, s19  }
0x9c: {  	s7 =	simm.s32 $0x0;
	s20 =	sshll.u32 s5, $0x1;
	s5 =	sadd.s32 s21, s3  }
0x9d: {  	[timem:s7], [sflag:s22] =	dma.local [hbm:s5], s20  }
0x9e: {  	_ =	swait.ge [sflag:s22], s20  }
0x9f: {  	s4 =	ssub.s32 $0x0, s20;
	[sflag:s22] =	ssyncset.done $0x0  }
0xa0: {  	[sflag:s22] =	ssyncadd.s32 s4;
	_ =	sdelay $0x1  }
0xa1: {  	s23 =	simm.s32 $0x1B8B  }
0xa2: {  	_ =	swait.ge [sflag:s23], $0x1  }
0xa3: {  	[sflag:s23] =	ssyncset.done $0x0  }
0xa4: {  	s25 =	simm.s32 $0x1B8E;
	s24 =	sld [smem:$0x3FFE];
	[sflag:s23] =	ssyncadd.s32 $0xFFFFFFFF  }
0xa5: {  	s26 =	simm.s32 $execute0_lowered;
	[smem:$0x3FD2] =	sst s25  }
0xa6: {  	s5 =	sshll.u32 s26, $0x1;
	_ =	strace $0x80000046;
	[dreg:$0x1] =	wrdreg $0xFFFFFFFF  }
0xa7: {  	s28 =	simm.s32 $_size_execute0_lowered;
	s3 =	sadd.s32 s3, s5;
	[dreg:$0x0] =	wrdreg $0x0  }
0xa8: {  	s5 =	sshll.u32 s28, $0x1;
	[dreg:$0x2] =	wrdreg s3  }
0xa9: {  	[dreg:$0x3] =	wrdreg s5  }
0xaa: {  	[dreg:$0x4] =	wrdreg $0xC0  }
0xab: {  	_ =	task [dreg:s7], $0x5FFFF  }
0xac: {  	[dreg:$0x1] =	wrdreg $0xFFFFFFFF  }
0xad: {  	[dreg:$0x0] =	wrdreg $0x60  }
0xae: {  	[dreg:$0x2] =	wrdreg s24  }
0xaf: {  	[dreg:$0x3] =	wrdreg s2  }
0xb0: {  	[dreg:$0x4] =	wrdreg $0x9  }
0xb1: {  	_ =	task.clear_ibuf [dreg:s7], $0x5FFFF;
	_ =	strace $0x90000046  }
0xb2: {  	s29 =	simm.s32 $0x9;
	_ =	strace $0x80000048  }
0xb3: {  	_ =	swait.ge [sflag:s29], $0x1  }
0xb4: {  	[sflag:s29] =	ssyncadd.s32 $0xFFFFFFFF  }
0xb5: {  	_ =	strace $0x90000048  }
0xb6: {  	_ =	sfence  }
0xb7: {  	s30 =	sld [smem:$0x0];
	_ =	sdelay $0x2  }
0xb8: {  	s31 =	sshll.u32 s1, $0xD;
	s1 =	sshrl.u32 s1, $0x2  }
0xb9: {  	s3 =	sand.u32 $0x4000, s31;
	s1 =	sadd.s32 s1, s30  }
0xba: {  	s0 =	sor.u32 s3, s0;
	s1 =	sshll.u32 s1, $0x11  }
0xbb: {  	s0 =	sor.u32 s1, s0  }
0xbc: {  	s0 =	sadd.s32 $0x8F2B, s0  }
0xbd: {  	[sflag:s0] =	ssyncadd.remote.s32 $0x1  }
0xbe: {  	_ =	sfence.sel $0xFFFF  }
0xbf: {  	[dreg:$0x0] =	wrdreg $0xFFFFFFFF;
	(pc) =	sbr.abs _section_cstart, $3  }
0xc0: {  	[dreg:$0x1] =	wrdreg $0xFFFFFFFF  }
0xc1: {  	_ =	task.clear_ibuf [dreg:s7], $0x2FFFF;
	_ =	strace $0x9FFFFFFF  }
0xc2: {  	(tm) =	ssettm $0x7FFFFFFF  }
0xc3: {  	_ =	shalt  }
tec
execute0_lowered:
.L_overlay_start_1:
0x0: {  	(tag) =	ssettag $0x1  }
0x1: {  	s3 =	rddreg [dreg:$0x0]  }
0x2: {  	s1 =	rddreg [dreg:$0x1]  }
0x3: {  	s0 =	rddreg [dreg:$0x2];
	s2 =	simm.s32 $0x0  }
0x4: {  	s4 =	srdreg.scid;
	s9 =	simm.s32 $0x100;
	s10 =	simm.s32 $0x6500  }
0x5: {  	s11 =	simm.s32 $0x0;
	[smem:$0x7FF] =	sst s2;
	s6 =	sand.u32 $0x1, s4  }
0x6: {  	s4 =	sadd.s32 $0x400, s3;
	s5 =	sadd.s32 $0x320400, s3;
	s7 =	ssub.s32 $0x2, s6  }
0x7: {  	s3 =	stileid.u32;
	_ =	strace $0x80000047;
	s8 =	sshrl.u32 s7, $0x1  }
0x8: {  	s31 =	sshll.u32 s3, $0xD;
	s6 =	sshll.u32 s6, $0xC;
	s7 =	ssub.s32 s7, s8  }
0x9: {  	s6 =	sor.u32 s6, s31;
	s8 =	simm.s32 $0x1;
	s7 =	smax.u32 s7, $0x1  }
.LBB2_1:
0xa: {  	[tilespmem:s2], [sflag:$0x1] =	stream.linear.gather [hbm4b:s1+s2], $0x100, $0x38;
	[tilespmem:$0xE500] =	vst v63  }
0xb: {  	_ =	swait.ge [sflag:s8], $0x100  }
0xc: {  	[sflag:s8] =	ssyncset.done $0x0  }
0xd: {  	[sflag:s8] =	ssyncadd.s32 $0xFFFFFF00  }
0xe: {  	v16 =	vld [tilespmem:$0x0]  }
0xf: {  	v17 =	vld [tilespmem:$0x10]  }
0x10: {  	v19 =	vld [tilespmem:$0x30]  }
0x11: {  	v20 =	vld [tilespmem:$0x40]  }
0x12: {  	v21 =	vld [tilespmem:$0x50]  }
0x13: {  	v23 =	vld [tilespmem:$0x70]  }
0x14: {  	v24 =	vld [tilespmem:$0x80]  }
0x15: {  	v26 =	vld [tilespmem:$0xA0]  }
0x16: {  	v27 =	vld [tilespmem:$0xB0]  }
0x17: {  	v29 =	vld [tilespmem:$0xD0]  }
0x18: {  	v28 =	vld [tilespmem:$0xC0]  }
0x19: {  	v25 =	vld [tilespmem:$0x90]  }
0x1a: {  	v22 =	vld [tilespmem:$0x60]  }
0x1b: {  	v18 =	vld [tilespmem:$0x20]  }
0x1c: {  	vm0 =	vlt.s32 v16, $0xC7;
	vm1 =	vlt.s32 v19, $0xC7;
	vm2 =	vlt.s32 v29, $0xC8  }
0x1d: {  	vm3 =	vlt.s32 v28, $0xC8;
	vm4 =	vlt.s32 v27, $0xC8;
	vm5 =	vlt.s32 v26, $0xC8  }
0x1e: {  	vm6 =	vlt.s32 v25, $0xC8;
	vm7 =	vlt.s32 v24, $0xC8;
	vm8 =	vlt.s32 v23, $0xC8  }
0x1f: {  	vm9 =	vlt.s32 v22, $0xC8;
	vm10 =	vlt.s32 v21, $0xC8;
	vm11 =	vlt.s32 v20, $0xC8  }
0x20: {  	vm12 =	vlt.s32 v19, $0xC8;
	vm13 =	vlt.s32 v18, $0xC8;
	vm14 =	vlt.s32 v17, $0xC8  }
0x21: {  	vm15 =	vlt.s32 v16, $0xC8;
	v0 =	vnsel vm0, $0xC7, v16;
	vm0 =	vlt.s32 v17, $0xC7  }
0x22: {  	v3 =	vnsel vm1, $0xC7, v19;
	v1 =	vnsel vm0, $0xC7, v17;
	vm0 =	vlt.s32 v18, $0xC7  }
0x23: {  	vm1 =	vlt.s32 v22, $0xC7;
	v2 =	vnsel vm0, $0xC7, v18;
	vm0 =	vlt.s32 v20, $0xC7  }
0x24: {  	v31 =	vld [tilespmem:$0xF0];
	v6 =	vnsel vm1, $0xC7, v22;
	v4 =	vnsel vm0, $0xC7, v20;
	vm0 =	vlt.s32 v21, $0xC7  }
0x25: {  	v30 =	vld [tilespmem:$0xE0];
	vm1 =	vlt.s32 v25, $0xC7;
	v5 =	vnsel vm0, $0xC7, v21;
	vm0 =	vlt.s32 v23, $0xC7  }
0x26: {  	v9 =	vnsel vm1, $0xC7, v25;
	v7 =	vnsel vm0, $0xC7, v23;
	vm0 =	vlt.s32 v24, $0xC7  }
0x27: {  	vm1 =	vlt.s32 v28, $0xC7;
	v8 =	vnsel vm0, $0xC7, v24;
	vm0 =	vlt.s32 v26, $0xC7  }
0x28: {  	v12 =	vnsel vm1, $0xC7, v28;
	v10 =	vnsel vm0, $0xC7, v26;
	vm0 =	vlt.s32 v27, $0xC7  }
0x29: {  	vm1 =	vlt.s32 v31, $0xC7;
	v11 =	vnsel vm0, $0xC7, v27;
	vm0 =	vlt.s32 v29, $0xC7  }
0x2a: {  	v15 =	vnsel vm1, $0xC7, v31;
	v13 =	vnsel vm0, $0xC7, v29;
	vm0 =	vlt.s32 v30, $0xC7  }
0x2b: {  	s12 =	simm.s32 $0x0;
	vm1 =	vlt.s32 v30, $0xC8;
	v14 =	vnsel vm0, $0xC7, v30;
	vm0 =	vlt.s32 v31, $0xC8  }
.LBB2_2:
0x2c: {  	s13 =	sshll.u32 s12, $0x7  }
0x2d: {  	s13 =	sadd.s32 s6, s13  }
0x2e: {  	s14 =	smul.u32 $0x19, s13  }
0x2f: {  	s15 =	simm.s32 $0x0  }
0x30: {  	v16 =	vadd.s32 s15, v0;
	s14 =	sadd.s32 s4, s14  }
0x31: {  	[tilespmem:s9], [sflag:$0x1] =	stream.linear.gather [hbm4b:s14+s15], $0x6400, $0x38;
	[tilespmem:$0xE500] =	vst v63  }
0x32: {  	_ =	swait.ge [sflag:s8], $0x6400  }
0x33: {  	[sflag:s8] =	ssyncset.done $0x0  }
0x34: {  	[sflag:s8] =	ssyncadd.s32 $0xFFFF9C00  }
0x35: {  	v16 =	vld.idx.msk [tilespmem:v16+s9+$0x0], $0xffff;
	_ =	sdelay $0x1  }
0x36: {  	v17 =	vadd.s32 s15, v1;
	_ =	sdelay $0x2  }
0x37: {  	s14 =	simm.s32 $0x6580;
	v16 =	vnsel vm15, $0x0, v16  }
0x38: {  	[tilespmem:s14+$0xFFFFFF80] =	vst v16  }
0x39: {  	v16 =	vld.idx.msk [tilespmem:v17+s9+$0x0], $0xffff;
	_ =	sdelay $0x1  }
0x3a: {  	v17 =	vadd.s32 s15, v2;
	_ =	sdelay $0x2  }
0x3b: {  	v16 =	vnsel vm14, $0x0, v16  }
0x3c: {  	[tilespmem:s14+$0xFFFFFF90] =	vst v16  }
0x3d: {  	v16 =	vld.idx.msk [tilespmem:v17+s9+$0x0], $0xffff;
	_ =	sdelay $0x1  }
0x3e: {  	v17 =	vadd.s32 s15, v3;
	_ =	sdelay $0x2  }
0x3f: {  	v16 =	vnsel vm13, $0x0, v16  }
0x40: {  	[tilespmem:s14+$0xFFFFFFA0] =	vst v16  }
0x41: {  	v16 =	vld.idx.msk [tilespmem:v17+s9+$0x0], $0xffff;
	_ =	sdelay $0x1  }
0x42: {  	v17 =	vadd.s32 s15, v4;
	_ =	sdelay $0x2  }
0x43: {  	v16 =	vnsel vm12, $0x0, v16  }
0x44: {  	[tilespmem:s14+$0xFFFFFFB0] =	vst v16  }
0x45: {  	v16 =	vld.idx.msk [tilespmem:v17+s9+$0x0], $0xffff;
	_ =	sdelay $0x1  }
0x46: {  	v17 =	vadd.s32 s15, v5;
	_ =	sdelay $0x2  }
0x47: {  	v16 =	vnsel vm11, $0x0, v16  }
0x48: {  	[tilespmem:s14+$0xFFFFFFC0] =	vst v16  }
0x49: {  	v16 =	vld.idx.msk [tilespmem:v17+s9+$0x0], $0xffff;
	_ =	sdelay $0x1  }
0x4a: {  	v17 =	vadd.s32 s15, v6;
	_ =	sdelay $0x2  }
0x4b: {  	v16 =	vnsel vm10, $0x0, v16  }
0x4c: {  	[tilespmem:s14+$0xFFFFFFD0] =	vst v16  }
0x4d: {  	v16 =	vld.idx.msk [tilespmem:v17+s9+$0x0], $0xffff;
	_ =	sdelay $0x1  }
0x4e: {  	v17 =	vadd.s32 s15, v7;
	_ =	sdelay $0x2  }
0x4f: {  	v16 =	vnsel vm9, $0x0, v16  }
0x50: {  	[tilespmem:s14+$0xFFFFFFE0] =	vst v16  }
0x51: {  	v16 =	vld.idx.msk [tilespmem:v17+s9+$0x0], $0xffff;
	_ =	sdelay $0x1  }
0x52: {  	v17 =	vadd.s32 s15, v8;
	_ =	sdelay $0x2  }
0x53: {  	v16 =	vnsel vm8, $0x0, v16  }
0x54: {  	[tilespmem:s14+$0xFFFFFFF0] =	vst v16  }
0x55: {  	v16 =	vld.idx.msk [tilespmem:v17+s9+$0x0], $0xffff;
	_ =	sdelay $0x1  }
0x56: {  	v17 =	vadd.s32 s15, v9;
	_ =	sdelay $0x2  }
0x57: {  	v16 =	vnsel vm7, $0x0, v16  }
0x58: {  	[tilespmem:s14+$0x0] =	vst v16  }
0x59: {  	v16 =	vld.idx.msk [tilespmem:v17+s9+$0x0], $0xffff;
	_ =	sdelay $0x1  }
0x5a: {  	v17 =	vadd.s32 s15, v10;
	_ =	sdelay $0x2  }
0x5b: {  	v16 =	vnsel vm6, $0x0, v16  }
0x5c: {  	[tilespmem:s14+$0x10] =	vst v16  }
0x5d: {  	v16 =	vld.idx.msk [tilespmem:v17+s9+$0x0], $0xffff;
	_ =	sdelay $0x1  }
0x5e: {  	v17 =	vadd.s32 s15, v11;
	_ =	sdelay $0x2  }
0x5f: {  	v16 =	vnsel vm5, $0x0, v16  }
0x60: {  	[tilespmem:s14+$0x20] =	vst v16  }
0x61: {  	v16 =	vld.idx.msk [tilespmem:v17+s9+$0x0], $0xffff;
	_ =	sdelay $0x1  }
0x62: {  	v17 =	vadd.s32 s15, v12;
	_ =	sdelay $0x2  }
0x63: {  	v16 =	vnsel vm4, $0x0, v16  }
0x64: {  	[tilespmem:s14+$0x30] =	vst v16  }
0x65: {  	v16 =	vld.idx.msk [tilespmem:v17+s9+$0x0], $0xffff;
	_ =	sdelay $0x1  }
0x66: {  	v17 =	vadd.s32 s15, v13;
	_ =	sdelay $0x2  }
0x67: {  	v16 =	vnsel vm3, $0x0, v16  }
0x68: {  	[tilespmem:s14+$0x40] =	vst v16  }
0x69: {  	v16 =	vld.idx.msk [tilespmem:v17+s9+$0x0], $0xffff;
	_ =	sdelay $0x1  }
0x6a: {  	v17 =	vadd.s32 s15, v14;
	_ =	sdelay $0x2  }
0x6b: {  	v16 =	vnsel vm2, $0x0, v16  }
0x6c: {  	[tilespmem:s14+$0x50] =	vst v16  }
0x6d: {  	v16 =	vld.idx.msk [tilespmem:v17+s9+$0x0], $0xffff;
	_ =	sdelay $0x1  }
0x6e: {  	v17 =	vadd.s32 s15, v15;
	_ =	sdelay $0x2  }
0x6f: {  	v16 =	vnsel vm1, $0x0, v16  }
0x70: {  	[tilespmem:s14+$0x60] =	vst v16  }
0x71: {  	v17 =	vld.idx.msk [tilespmem:v17+s9+$0x0], $0xffff  }
0x72: {  	s15 =	simm.s32 $0xC8  }
0x73: {  	s16 =	simm.s32 $0x190;
	v16 =	vadd.s32 s15, v0  }
.LBB2_3:
0x74: {  	p0 =	sne.s32 s16, $0x6338;
	_ =	sdelay $0x1  }
0x75: {  	v17 =	vnsel vm0, $0x0, v17  }
0x76: {  	[tilespmem:s14+$0x70] =	vst v17  }
0x77: {  	v16 =	vld.idx.msk [tilespmem:v16+s9+$0x0], $0xffff;
	_ =	sdelay $0x2  }
0x78: {  	v17 =	vadd.s32 s15, v1;
	_ =	sdelay $0x2  }
0x79: {  	s14 =	sadd.s32 $0x100, s14;
	v16 =	vnsel vm15, $0x0, v16  }
0x7a: {  	[tilespmem:s14+$0xFFFFFF80] =	vst v16  }
0x7b: {  	v16 =	vld.idx.msk [tilespmem:v17+s9+$0x0], $0xffff;
	_ =	sdelay $0x2  }
0x7c: {  	v17 =	vadd.s32 s15, v2;
	_ =	sdelay $0x2  }
0x7d: {  	v16 =	vnsel vm14, $0x0, v16  }
0x7e: {  	[tilespmem:s14+$0xFFFFFF90] =	vst v16  }
0x7f: {  	v16 =	vld.idx.msk [tilespmem:v17+s9+$0x0], $0xffff;
	_ =	sdelay $0x2  }
0x80: {  	v17 =	vadd.s32 s15, v3;
	_ =	sdelay $0x2  }
0x81: {  	v16 =	vnsel vm13, $0x0, v16  }
0x82: {  	[tilespmem:s14+$0xFFFFFFA0] =	vst v16  }
0x83: {  	v16 =	vld.idx.msk [tilespmem:v17+s9+$0x0], $0xffff;
	_ =	sdelay $0x2  }
0x84: {  	v17 =	vadd.s32 s15, v4;
	_ =	sdelay $0x2  }
0x85: {  	v16 =	vnsel vm12, $0x0, v16  }
0x86: {  	[tilespmem:s14+$0xFFFFFFB0] =	vst v16  }
0x87: {  	v16 =	vld.idx.msk [tilespmem:v17+s9+$0x0], $0xffff;
	_ =	sdelay $0x2  }
0x88: {  	v17 =	vadd.s32 s15, v5;
	_ =	sdelay $0x2  }
0x89: {  	v16 =	vnsel vm11, $0x0, v16  }
0x8a: {  	[tilespmem:s14+$0xFFFFFFC0] =	vst v16  }
0x8b: {  	v16 =	vld.idx.msk [tilespmem:v17+s9+$0x0], $0xffff;
	_ =	sdelay $0x2  }
0x8c: {  	v17 =	vadd.s32 s15, v6;
	_ =	sdelay $0x2  }
0x8d: {  	v16 =	vnsel vm10, $0x0, v16  }
0x8e: {  	[tilespmem:s14+$0xFFFFFFD0] =	vst v16  }
0x8f: {  	v16 =	vld.idx.msk [tilespmem:v17+s9+$0x0], $0xffff;
	_ =	sdelay $0x2  }
0x90: {  	v17 =	vadd.s32 s15, v7;
	_ =	sdelay $0x2  }
0x91: {  	v16 =	vnsel vm9, $0x0, v16  }
0x92: {  	[tilespmem:s14+$0xFFFFFFE0] =	vst v16  }
0x93: {  	v16 =	vld.idx.msk [tilespmem:v17+s9+$0x0], $0xffff;
	_ =	sdelay $0x2  }
0x94: {  	v17 =	vadd.s32 s15, v8;
	_ =	sdelay $0x2  }
0x95: {  	v16 =	vnsel vm8, $0x0, v16  }
0x96: {  	[tilespmem:s14+$0xFFFFFFF0] =	vst v16  }
0x97: {  	v16 =	vld.idx.msk [tilespmem:v17+s9+$0x0], $0xffff;
	_ =	sdelay $0x2  }
0x98: {  	v17 =	vadd.s32 s15, v9;
	_ =	sdelay $0x2  }
0x99: {  	v16 =	vnsel vm7, $0x0, v16  }
0x9a: {  	[tilespmem:s14+$0x0] =	vst v16  }
0x9b: {  	v16 =	vld.idx.msk [tilespmem:v17+s9+$0x0], $0xffff;
	_ =	sdelay $0x2  }
0x9c: {  	v17 =	vadd.s32 s15, v10;
	_ =	sdelay $0x2  }
0x9d: {  	v16 =	vnsel vm6, $0x0, v16  }
0x9e: {  	[tilespmem:s14+$0x10] =	vst v16  }
0x9f: {  	v16 =	vld.idx.msk [tilespmem:v17+s9+$0x0], $0xffff;
	_ =	sdelay $0x2  }
0xa0: {  	v17 =	vadd.s32 s15, v11;
	_ =	sdelay $0x2  }
0xa1: {  	v16 =	vnsel vm5, $0x0, v16  }
0xa2: {  	[tilespmem:s14+$0x20] =	vst v16  }
0xa3: {  	v16 =	vld.idx.msk [tilespmem:v17+s9+$0x0], $0xffff;
	_ =	sdelay $0x2  }
0xa4: {  	v17 =	vadd.s32 s15, v12;
	_ =	sdelay $0x2  }
0xa5: {  	v16 =	vnsel vm4, $0x0, v16  }
0xa6: {  	[tilespmem:s14+$0x30] =	vst v16  }
0xa7: {  	v16 =	vld.idx.msk [tilespmem:v17+s9+$0x0], $0xffff;
	_ =	sdelay $0x2  }
0xa8: {  	v17 =	vadd.s32 s15, v13;
	_ =	sdelay $0x2  }
0xa9: {  	v16 =	vnsel vm3, $0x0, v16  }
0xaa: {  	[tilespmem:s14+$0x40] =	vst v16  }
0xab: {  	v16 =	vld.idx.msk [tilespmem:v17+s9+$0x0], $0xffff;
	_ =	sdelay $0x2  }
0xac: {  	v17 =	vadd.s32 s15, v14;
	_ =	sdelay $0x2  }
0xad: {  	v16 =	vnsel vm2, $0x0, v16  }
0xae: {  	[tilespmem:s14+$0x50] =	vst v16  }
0xaf: {  	v16 =	vld.idx.msk [tilespmem:v17+s9+$0x0], $0xffff;
	_ =	sdelay $0x2  }
0xb0: {  	v17 =	vadd.s32 s15, v15;
	s15 =	smov.u32 s16;
	_ =	sdelay $0x2  }
0xb1: {  	v16 =	vnsel vm1, $0x0, v16  }
.Ltmp0:
0xb2: {  	[tilespmem:s14+$0x60] =	vst v16;
	(pc) =	sbr.rel @p0 .LBB2_3-.Ltmp0, $2  }
0xb3: {  	v17 =	vld.idx.msk [tilespmem:v17+s9+$0x0], $0xffff;
	_ =	sdelay $0x2  }
0xb4: {  	s16 =	sadd.s32 $0xC8, s16;
	v16 =	vadd.s32 s15, v0  }
0xb5: {  	_ =	sdelay $0x1  }
0xb6: {  	v17 =	vnsel vm0, $0x0, v17  }
0xb7: {  	[tilespmem:s14+$0x70] =	vst v17  }
0xb8: {  	v16 =	vld.idx.msk [tilespmem:v16+s9+$0x0], $0xffff;
	_ =	sdelay $0x1  }
0xb9: {  	v17 =	vadd.s32 s15, v1;
	_ =	sdelay $0x2  }
0xba: {  	s31 =	sadd.s32 $0x100, s14;
	v16 =	vnsel vm15, $0x0, v16  }
0xbb: {  	[tilespmem:s31+$0xFFFFFF80] =	vst v16  }
0xbc: {  	v16 =	vld.idx.msk [tilespmem:v17+s9+$0x0], $0xffff;
	_ =	sdelay $0x1  }
0xbd: {  	v17 =	vadd.s32 s15, v2;
	_ =	sdelay $0x2  }
0xbe: {  	v16 =	vnsel vm14, $0x0, v16  }
0xbf: {  	[tilespmem:s31+$0xFFFFFF90] =	vst v16  }
0xc0: {  	v16 =	vld.idx.msk [tilespmem:v17+s9+$0x0], $0xffff;
	_ =	sdelay $0x1  }
0xc1: {  	v17 =	vadd.s32 s15, v3;
	_ =	sdelay $0x2  }
0xc2: {  	v16 =	vnsel vm13, $0x0, v16  }
0xc3: {  	[tilespmem:s31+$0xFFFFFFA0] =	vst v16  }
0xc4: {  	v16 =	vld.idx.msk [tilespmem:v17+s9+$0x0], $0xffff;
	_ =	sdelay $0x1  }
0xc5: {  	v17 =	vadd.s32 s15, v4;
	_ =	sdelay $0x2  }
0xc6: {  	v16 =	vnsel vm12, $0x0, v16  }
0xc7: {  	[tilespmem:s31+$0xFFFFFFB0] =	vst v16  }
0xc8: {  	v16 =	vld.idx.msk [tilespmem:v17+s9+$0x0], $0xffff;
	_ =	sdelay $0x1  }
0xc9: {  	v17 =	vadd.s32 s15, v5;
	_ =	sdelay $0x2  }
0xca: {  	v16 =	vnsel vm11, $0x0, v16  }
0xcb: {  	[tilespmem:s31+$0xFFFFFFC0] =	vst v16  }
0xcc: {  	v16 =	vld.idx.msk [tilespmem:v17+s9+$0x0], $0xffff;
	_ =	sdelay $0x1  }
0xcd: {  	v17 =	vadd.s32 s15, v6;
	_ =	sdelay $0x2  }
0xce: {  	v16 =	vnsel vm10, $0x0, v16  }
0xcf: {  	[tilespmem:s31+$0xFFFFFFD0] =	vst v16  }
0xd0: {  	v16 =	vld.idx.msk [tilespmem:v17+s9+$0x0], $0xffff;
	_ =	sdelay $0x1  }
0xd1: {  	v17 =	vadd.s32 s15, v7;
	_ =	sdelay $0x2  }
0xd2: {  	v16 =	vnsel vm9, $0x0, v16  }
0xd3: {  	[tilespmem:s31+$0xFFFFFFE0] =	vst v16  }
0xd4: {  	v16 =	vld.idx.msk [tilespmem:v17+s9+$0x0], $0xffff;
	_ =	sdelay $0x1  }
0xd5: {  	v17 =	vadd.s32 s15, v8;
	_ =	sdelay $0x2  }
0xd6: {  	v16 =	vnsel vm8, $0x0, v16  }
0xd7: {  	[tilespmem:s31+$0xFFFFFFF0] =	vst v16  }
0xd8: {  	v16 =	vld.idx.msk [tilespmem:v17+s9+$0x0], $0xffff;
	_ =	sdelay $0x1  }
0xd9: {  	v17 =	vadd.s32 s15, v9;
	_ =	sdelay $0x2  }
0xda: {  	v16 =	vnsel vm7, $0x0, v16  }
0xdb: {  	[tilespmem:s31+$0x0] =	vst v16  }
0xdc: {  	v16 =	vld.idx.msk [tilespmem:v17+s9+$0x0], $0xffff;
	_ =	sdelay $0x1  }
0xdd: {  	v17 =	vadd.s32 s15, v10;
	_ =	sdelay $0x2  }
0xde: {  	v16 =	vnsel vm6, $0x0, v16  }
0xdf: {  	[tilespmem:s31+$0x10] =	vst v16  }
0xe0: {  	v16 =	vld.idx.msk [tilespmem:v17+s9+$0x0], $0xffff;
	_ =	sdelay $0x1  }
0xe1: {  	v17 =	vadd.s32 s15, v11;
	_ =	sdelay $0x2  }
0xe2: {  	v16 =	vnsel vm5, $0x0, v16  }
0xe3: {  	[tilespmem:s31+$0x20] =	vst v16  }
0xe4: {  	v16 =	vld.idx.msk [tilespmem:v17+s9+$0x0], $0xffff;
	_ =	sdelay $0x1  }
0xe5: {  	v17 =	vadd.s32 s15, v12;
	_ =	sdelay $0x2  }
0xe6: {  	v16 =	vnsel vm4, $0x0, v16  }
0xe7: {  	[tilespmem:s31+$0x30] =	vst v16  }
0xe8: {  	v16 =	vld.idx.msk [tilespmem:v17+s9+$0x0], $0xffff;
	_ =	sdelay $0x1  }
0xe9: {  	v17 =	vadd.s32 s15, v13;
	_ =	sdelay $0x2  }
0xea: {  	v16 =	vnsel vm3, $0x0, v16  }
0xeb: {  	[tilespmem:s31+$0x40] =	vst v16  }
0xec: {  	v16 =	vld.idx.msk [tilespmem:v17+s9+$0x0], $0xffff;
	_ =	sdelay $0x1  }
0xed: {  	v17 =	vadd.s32 s15, v14;
	_ =	sdelay $0x2  }
0xee: {  	v16 =	vnsel vm2, $0x0, v16  }
0xef: {  	[tilespmem:s31+$0x50] =	vst v16  }
0xf0: {  	v16 =	vld.idx.msk [tilespmem:v17+s9+$0x0], $0xffff;
	_ =	sdelay $0x1  }
0xf1: {  	v17 =	vadd.s32 s15, v15;
	_ =	sdelay $0x2  }
0xf2: {  	v16 =	vnsel vm1, $0x0, v16  }
0xf3: {  	[tilespmem:s31+$0x60] =	vst v16  }
0xf4: {  	v16 =	vld.idx.msk [tilespmem:v17+s9+$0x0], $0xffff;
	_ =	sdelay $0x3  }
0xf5: {  	s12 =	sadd.s32 $0x1, s12  }
0xf6: {  	s13 =	sshll.u32 s13, $0x5;
	p0 =	sne.s32 s12, $0x20;
	v16 =	vnsel vm0, $0x0, v16  }
.Ltmp1:
0xf7: {  	s13 =	sadd.s32 s5, s13;
	[tilespmem:s31+$0x70] =	vst v16;
	(pc) =	sbr.rel @p0 .LBB2_2-.Ltmp1, $4  }
0xf8: {  	[hbm4b:s13+s2] =	stream.linear.scatter [tilespmem:s10], [sflag:$0x1], $0x8000, $0x38;
	[tilespmem:$0xE500] =	vst v63  }
0xf9: {  	_ =	swait.ge [sflag:s8], $0x8000  }
0xfa: {  	[sflag:s8] =	ssyncset.done $0x0  }
0xfb: {  	[sflag:s8] =	ssyncadd.s32 $0xFFFF8000  }
0xfc: {  	s11 =	sadd.s32 $0x1, s11  }
0xfd: {  	p0 =	sne.s32 s11, s7  }
.Ltmp2:
0xfe: {  	_ = 	snop;
	(pc) =	sbr.rel @p0 .LBB2_1-.Ltmp2, $1  }
0xff: {  	_ =	sdelay $0x3  }
0x100: {  	_ =	sfence.sel $0x180000  }
0x101: {  	[bflag:$0x0] =	sbarrier.arrive $0xFFFF  }
0x102: {  	p0 =	sne.s32 s3, $0x0;
	_ =	strace $0x90000047  }
0x103: {  	s0 =	sadd.s32 @!p0 $0x100000, s0;
	[bflag:$0x2] =	sbarrier.arrive $0xFFFF  }
0x104: {  	[sflag:s0] =	ssyncadd.tile.s32 @!p0 $0x1;
	_ =	shalt  }
.Lfunc_end2:
_tile_overlayer_lowered:
.L_overlay_start_2:
0x105: {  	(tag) =	ssettag $0x2  }
0x106: {  	s0 =	rddreg [dreg:$0x0];
	s2 =	stileid.u32  }
0x107: {  	s1 =	rddreg [dreg:$0x1];
	p0 =	sne.s32 s2, $0x0  }
0x108: {  	s3 =	rddreg [dreg:$0x2];
	[bflag:$0x3] =	sbarrier.arrive $0xFFFF;
	s2 =	simm.s32 @!p0 $0x1C01  }
0x109: {  	[timem:s3], [sflag:s2] =	dma.local @!p0 [hbm:s0], s1  }
0x10a: {  	s0 =	simm.s32 @!p0 $0x1  }
0x10b: {  	_ =	swait.ge @!p0 [sflag:s0], s1  }
0x10c: {  	s1 =	ssub.s32 @!p0 $0x0, s1;
	[sflag:s0] =	ssyncset.done @!p0 $0x0  }
0x10d: {  	[sflag:s0] =	ssyncadd.s32 @!p0 s1  }
0x10e: {  	[bflag:$0x3] =	sbarrier.arrive $0xFFFF  }
0x10f: {  	_ =	shalt  }

</sc_bundles>
